<compile_context>
chip_gen: v7x
topology: tpu7x:2x2x1
jax: 0.10.2.dev20260603
libtpu: 0.0.44.dev20260713+nightly
codegen_flags: <defaults>
</compile_context>

<pallas_src>
import functools

import jax
import jax.numpy as jnp
from jax import lax
from jax.experimental import pallas as pl
from jax.experimental.pallas import tpu as pltpu
from jax.experimental.pallas import tpu_sc as plsc

N = 100000
E = 3200000
DE = 16
DH = 128

NC = 2
NS = 16

TRN, SLN, LNN = 2, 8, 128
TCN = E // LNN
HALF_TC = TCN // NC
CH = 50
NCH = HALF_TC // CH


def _sc_segment_sum(ev, receivers):
    mesh = plsc.VectorSubcoreMesh(core_axis_name="c", subcore_axis_name="s")

    @functools.partial(
        pl.kernel,
        mesh=mesh,
        out_type=jax.ShapeDtypeStruct((NC, NS, N), jnp.float32),
        scratch_types=[
            pltpu.VMEM((N,), jnp.float32),
            pltpu.VMEM((CH, LNN), jnp.float32),
            pltpu.VMEM((CH, LNN), jnp.float32),
            pltpu.VMEM((CH * LNN,), jnp.int32),
            pltpu.VMEM((CH * LNN,), jnp.int32),
            pltpu.SemaphoreType.DMA,
            pltpu.SemaphoreType.DMA,
            pltpu.SemaphoreType.DMA,
            pltpu.SemaphoreType.DMA,
        ],
        compiler_params=pltpu.CompilerParams(
            use_tc_tiling_on_sc=False, needs_layout_passes=False,
        ),
    )
    def k(ev_hbm, recv_hbm, out_hbm, acc_v,
          vals0, vals1, idx0, idx1, sv0, sv1, si0, si1):
        c = lax.axis_index("c")
        s = lax.axis_index("s")
        tr = s // SLN
        sl = s % SLN

        zero = jnp.zeros((16,), jnp.float32)
        tc_base = c * HALF_TC
        vb = (vals0, vals1)
        ib = (idx0, idx1)
        sv = (sv0, sv1)
        si = (si0, si1)

        def refs(k_, slot):
            tcs = tc_base + k_ * CH
            return (
                (ev_hbm.at[tr, pl.ds(tcs, CH), sl], vb[slot], sv[slot]),
                (recv_hbm.at[pl.ds(tcs * LNN, CH * LNN)], ib[slot], si[slot]),
            )

        def issue(k_, slot):
            for args in refs(k_, slot):
                pltpu.async_copy(*args)

        def wait(k_, slot):
            for args in refs(k_, slot):
                pltpu.make_async_copy(*args).wait()

        def compute(slot):
            @pl.loop(0, CH)
            def _(j):
                pairs = [
                    (
                        ib[slot][pl.ds(j * LNN + jj * 16, 16)],
                        vb[slot][j, pl.ds(jj * 16, 16)],
                    )
                    for jj in range(SLN)
                ]
                for idx16, val16 in pairs:
                    plsc.addupdate_scatter(acc_v, [idx16], val16)

        issue(0, 0)

        @pl.loop(0, N // 16)
        def _(i):
            acc_v[pl.ds(i * 16, 16)] = zero

        @pl.loop(0, NCH // 2)
        def _(p):
            k0 = 2 * p

            @pl.when(k0 + 1 < NCH)
            def _():
                issue(k0 + 1, 1)

            wait(k0, 0)
            compute(0)

            @pl.when(k0 + 2 < NCH)
            def _():
                issue(k0 + 2, 0)

            wait(k0 + 1, 1)
            compute(1)

        pltpu.sync_copy(acc_v, out_hbm.at[c, s])

    return k(ev, receivers)


_BLK = 4096


def _gru_body(p_ref, nodes_ref, wih_ref, whh_ref, b_ref, bn_ref, out_ref):
    aggr_t = p_ref[0] + p_ref[1]
    h = nodes_ref[...]
    ig = lax.dot_general(
        aggr_t.astype(jnp.bfloat16), wih_ref[...].astype(jnp.bfloat16),
        (((0,), (1,)), ((), ())),
        preferred_element_type=jnp.float32,
    ) + b_ref[...]
    hg = lax.dot_general(
        h.astype(jnp.bfloat16), whh_ref[...].astype(jnp.bfloat16),
        (((1,), (1,)), ((), ())),
        preferred_element_type=jnp.float32,
    )
    ir, iz, inew = ig[:, :DH], ig[:, DH:2 * DH], ig[:, 2 * DH:]
    hr, hz, hn = hg[:, :DH], hg[:, DH:2 * DH], hg[:, 2 * DH:]
    reset = 0.5 * jnp.tanh(0.5 * (ir + hr)) + 0.5
    inp = 0.5 * jnp.tanh(0.5 * (iz + hz)) + 0.5
    new = jnp.tanh(inew + reset * (hn + bn_ref[...]))
    out_ref[...] = new + inp * (h - new)


def _tc_gru(partials, nodes, W_ih, W_hh, b2, bn2):
    grid = (pl.cdiv(N, _BLK),)
    return pl.pallas_call(
        _gru_body,
        grid=grid,
        in_specs=[
            pl.BlockSpec((NC, NS, _BLK), lambda i: (0, 0, i)),
            pl.BlockSpec((_BLK, DH), lambda i: (i, 0)),
            pl.BlockSpec((3 * DH, DE), lambda i: (0, 0)),
            pl.BlockSpec((3 * DH, DH), lambda i: (0, 0)),
            pl.BlockSpec((1, 3 * DH), lambda i: (0, 0)),
            pl.BlockSpec((1, DH), lambda i: (0, 0)),
        ],
        out_specs=pl.BlockSpec((_BLK, DH), lambda i: (i, 0)),
        out_shape=jax.ShapeDtypeStruct((N, DH), jnp.float32),
    )(partials, nodes, W_ih, W_hh, b2, bn2)


def kernel(nodes, edges, receivers, senders, W_ih, W_hh, b, b_n):
    del senders
    ev = (
        jnp.transpose(edges)
        .reshape(TRN, SLN, TCN, LNN)
        .transpose(0, 2, 1, 3)
    )
    partials = _sc_segment_sum(ev, receivers)
    return _tc_gru(
        partials, nodes, W_ih, W_hh,
        b.reshape(1, 3 * DH), b_n.reshape(1, DH),
    )

# --- scband reference (transcript-rebuilt; emitter-appended) ---
"""Pipeline reference for scband-grnn-62826781606047 (READ-ONLY COPY).

The authoritative reference and input builder live on the scoring server;
editing this copy changes nothing except your own understanding.
"""

import jax, jax.numpy as jnp
import numpy as np

N_NODES = 100000
N_EDGES = 3200000
D_EDGE = 16
D_HID = 128


def setup_inputs(seed: int = 0) -> dict:
    key = jax.random.key(seed)
    k1, k2, k3, k4, k5, k6, k7, k8 = jax.random.split(key, 8)
    nodes = jax.random.normal(k1, (N_NODES, D_HID), dtype=jnp.float32)
    edges = jax.random.normal(k2, (N_EDGES, D_EDGE), dtype=jnp.float32)
    receivers = jax.random.randint(k3, (N_EDGES,), 0, N_NODES, dtype=jnp.int32)
    senders = jax.random.randint(k4, (N_EDGES,), 0, N_NODES, dtype=jnp.int32)
    # GRUCell parameters (equinox layout: weight_ih [3*hidden, input], weight_hh [3*hidden, hidden])
    lim_ih = 1.0 / np.sqrt(D_EDGE)
    lim_hh = 1.0 / np.sqrt(D_HID)
    W_ih = jax.random.uniform(k5, (3 * D_HID, D_EDGE), minval=-lim_ih, maxval=lim_ih, dtype=jnp.float32)
    W_hh = jax.random.uniform(k6, (3 * D_HID, D_HID), minval=-lim_hh, maxval=lim_hh, dtype=jnp.float32)
    b = jax.random.uniform(k7, (3 * D_HID,), minval=-lim_hh, maxval=lim_hh, dtype=jnp.float32)
    b_n = jax.random.uniform(k8, (D_HID,), minval=-lim_hh, maxval=lim_hh, dtype=jnp.float32)
    return {"nodes": nodes, "edges": edges, "receivers": receivers, "senders": senders,
            "W_ih": W_ih, "W_hh": W_hh, "b": b, "b_n": b_n}


def reference(nodes, edges, receivers, senders, W_ih, W_hh, b, b_n):
    # aggr_edges = segment_sum(edges, receivers, num_nodes)
    aggr_edges = jax.ops.segment_sum(edges, receivers, num_segments=N_NODES)
    # Batched equinox GRUCell: rnn(aggr_edges, nodes)
    igates = aggr_edges @ W_ih.T + b            # [N, 3*H]
    hgates = nodes @ W_hh.T                     # [N, 3*H]
    ir, iz, inew = jnp.split(igates, 3, axis=-1)
    hr, hz, hn = jnp.split(hgates, 3, axis=-1)
    reset = jax.nn.sigmoid(ir + hr)
    inp = jax.nn.sigmoid(iz + hz)
    new = jnp.tanh(inew + reset * (hn + b_n))
    new_nodes = new + inp * (nodes - new)
    # graph._replace(nodes=new_nodes): return the updated node states
    return new_nodes

if __name__ == "__main__":
    import jax
    _d = setup_inputs()
    print(jax.jit(kernel)(*tuple(_d.values())))

</pallas_src>

<mosaic_0001>
#map = affine_map<(d0, d1) -> (0, 0, 0, 0)>
#map1 = affine_map<(d0, d1) -> (0)>
#map2 = affine_map<(d0, d1) -> (0, 0, 0)>
module attributes {stable_mosaic.version = 14 : i64} {
  func.func @k(%arg0: i32, %arg1: i32, %arg2: memref<2x25000x8x128xf32, #tpu.memory_space<hbm>>, %arg3: memref<3200000xi32, #tpu.memory_space<hbm>>, %arg4: memref<2x16x100000xf32, #tpu.memory_space<hbm>>, %arg5: memref<100000xf32, #tpu.memory_space<vmem>>, %arg6: memref<50x128xf32, #tpu.memory_space<vmem>>, %arg7: memref<50x128xf32, #tpu.memory_space<vmem>>, %arg8: memref<6400xi32, #tpu.memory_space<vmem>>, %arg9: memref<6400xi32, #tpu.memory_space<vmem>>, %arg10: memref<!tpu.dma_semaphore, #tpu.memory_space<semaphore_mem>>, %arg11: memref<!tpu.dma_semaphore, #tpu.memory_space<semaphore_mem>>, %arg12: memref<!tpu.dma_semaphore, #tpu.memory_space<semaphore_mem>>, %arg13: memref<!tpu.dma_semaphore, #tpu.memory_space<semaphore_mem>>) attributes {dimension_semantics = [#tpu.dimension_semantics<core_parallel>, #tpu.dimension_semantics<subcore_parallel>], iteration_bounds = array<i64: 2, 16>, scalar_prefetch = 0 : i64, scratch_operands = 9 : i64, tpu.core_type = #tpu.core_type<sc_vector_subcore>, window_params = [{transform_indices = #map}, {transform_indices = #map1}, {transform_indices = #map2}]} {
    %jit3A = arith.constant 8 : i32
    %div3A = arith.divsi %arg1, %jit3A : i32
    %sign3A = arith.constant 0 : i32
    %sign3A_0 = arith.cmpi sgt, %arg1, %sign3A : i32
    %sign3A_1 = arith.extui %sign3A_0 : i1 to i32
    %sign3A_2 = arith.constant 0 : i32
    %sign3A_3 = arith.cmpi slt, %arg1, %sign3A_2 : i32
    %sign3A_4 = arith.extui %sign3A_3 : i1 to i32
    %sign3A_5 = arith.subi %sign3A_1, %sign3A_4 : i32
    %sign3A_6 = arith.constant 0 : i32
    %sign3A_7 = arith.cmpi sgt, %jit3A, %sign3A_6 : i32
    %sign3A_8 = arith.extui %sign3A_7 : i1 to i32
    %sign3A_9 = arith.constant 0 : i32
    %sign3A_10 = arith.cmpi slt, %jit3A, %sign3A_9 : i32
    %sign3A_11 = arith.extui %sign3A_10 : i1 to i32
    %sign3A_12 = arith.subi %sign3A_8, %sign3A_11 : i32
    %ne3A = arith.cmpi ne, %sign3A_5, %sign3A_12 : i32
    %rem3A = arith.remsi %arg1, %jit3A : i32
    %ne3A_13 = arith.constant 0 : i32
    %ne3A_14 = arith.cmpi ne, %rem3A, %ne3A_13 : i32
    %and3A = arith.andi %ne3A, %ne3A_14 : i1
    %sub3A = arith.constant 1 : i32
    %sub3A_15 = arith.subi %div3A, %sub3A : i32
    %select_n3A = arith.select %and3A, %sub3A_15, %div3A : i32
    %jit3A_16 = arith.constant 8 : i32
    %eq3A = arith.constant 0 : i32
    %eq3A_17 = arith.cmpi eq, %jit3A_16, %eq3A : i32
    %jit3A_18 = arith.constant 1 : i32
    %select_n3A_19 = arith.select %eq3A_17, %jit3A_18, %jit3A_16 : i32
    %rem3A_20 = arith.remsi %arg1, %select_n3A_19 : i32
    %ne3A_21 = arith.constant 0 : i32
    %ne3A_22 = arith.cmpi ne, %rem3A_20, %ne3A_21 : i32
    %lt3A = arith.constant 0 : i32
    %lt3A_23 = arith.cmpi slt, %rem3A_20, %lt3A : i32
    %lt3A_24 = arith.constant 0 : i32
    %lt3A_25 = arith.cmpi slt, %select_n3A_19, %lt3A_24 : i32
    %ne3A_26 = arith.xori %lt3A_23, %lt3A_25 : i1
    %and3A_27 = arith.andi %ne3A_26, %ne3A_22 : i1
    %add3A = arith.addi %rem3A_20, %select_n3A_19 : i32
    %select_n3A_28 = arith.select %and3A_27, %add3A, %rem3A_20 : i32
    %broadcast_in_dim3A = arith.constant 0.000000e+00 : f32
    %broadcast_in_dim3A_29 = vector.broadcast %broadcast_in_dim3A : f32 to vector<16xf32>
    %mul3A = arith.constant 12500 : i32
    %mul3A_30 = arith.muli %arg0, %mul3A : i32
    %add3A_31 = arith.constant 0 : i32
    %add3A_32 = arith.addi %mul3A_30, %add3A_31 : i32
    %mul3A_33 = arith.constant 128 : i32
    %mul3A_34 = arith.muli %add3A_32, %mul3A_33 : i32
    %dma_start3A = arith.constant 0 : i32
    %dma_start3A_35 = tpu.memref_slice %arg2[%select_n3A, %add3A_32, %select_n3A_28, %dma_start3A] : memref<2x25000x8x128xf32, #tpu.memory_space<hbm>> -> memref<1x50x1x128xf32, #tpu.memory_space<hbm>>
    %dma_start3A_36 = tpu.memref_squeeze %dma_start3A_35 : memref<1x50x1x128xf32, #tpu.memory_space<hbm>> -> memref<50x128xf32, #tpu.memory_space<hbm>>
    %dma_start3A_37 = arith.constant 0 : i32
    %dma_start3A_38 = tpu.memref_slice %arg2[%select_n3A, %add3A_32, %select_n3A_28, %dma_start3A_37] : memref<2x25000x8x128xf32, #tpu.memory_space<hbm>> -> memref<1x50x1x128xf32, #tpu.memory_space<hbm>>
    %dma_start3A_39 = tpu.memref_squeeze %dma_start3A_38 : memref<1x50x1x128xf32, #tpu.memory_space<hbm>> -> memref<50x128xf32, #tpu.memory_space<hbm>>
    tpu.enqueue_dma source(%dma_start3A_39 : memref<50x128xf32, #tpu.memory_space<hbm>>) target(%arg6 : memref<50x128xf32, #tpu.memory_space<vmem>>) target_semaphore(%arg10 : memref<!tpu.dma_semaphore, #tpu.memory_space<semaphore_mem>>)
    %dma_start3A_40 = tpu.memref_slice %arg3[%mul3A_34] : memref<3200000xi32, #tpu.memory_space<hbm>> -> memref<6400xi32, #tpu.memory_space<hbm>>
    %dma_start3A_41 = tpu.memref_slice %arg3[%mul3A_34] : memref<3200000xi32, #tpu.memory_space<hbm>> -> memref<6400xi32, #tpu.memory_space<hbm>>
    tpu.enqueue_dma source(%dma_start3A_41 : memref<6400xi32, #tpu.memory_space<hbm>>) target(%arg8 : memref<6400xi32, #tpu.memory_space<vmem>>) target_semaphore(%arg12 : memref<!tpu.dma_semaphore, #tpu.memory_space<semaphore_mem>>)
    %scan3A = arith.constant 0 : i32
    %scan3A_42 = arith.constant 6250 : i32
    %scan3A_43 = arith.addi %scan3A, %scan3A_42 : i32
    %scan3A_44 = arith.constant 1 : i32
    scf.for %scan3A_51 = %scan3A to %scan3A_43 step %scan3A_44  : i32 {
      %mul3A_52 = arith.constant 1 : i32
      %mul3A_53 = arith.muli %scan3A_51, %mul3A_52 : i32
      %add3A_54 = arith.constant 0 : i32
      %add3A_55 = arith.addi %add3A_54, %mul3A_53 : i32
      %mul3A_56 = arith.constant 16 : i32
      %mul3A_57 = arith.muli %add3A_55, %mul3A_56 : i32
      %swap3A = arith.index_cast %mul3A_57 : i32 to index
      %swap3A_58 = tpu.vector_load %arg5[%swap3A] {strides = array<i32>} : memref<100000xf32, #tpu.memory_space<vmem>>, vector<16xf32>,
      tpu.vector_store %arg5[%swap3A], %broadcast_in_dim3A_29 {strides = array<i32>} : memref<100000xf32, #tpu.memory_space<vmem>>, vector<16xf32>,
    }
    %scan3A_45 = arith.constant 6250 : i32
    %scan3A_46 = arith.constant 0 : i32
    %scan3A_47 = arith.constant 125 : i32
    %scan3A_48 = arith.addi %scan3A_46, %scan3A_47 : i32
    %scan3A_49 = arith.constant 1 : i32
    scf.for %scan3A_51 = %scan3A_46 to %scan3A_48 step %scan3A_49  : i32 {
      %mul3A_52 = arith.constant 1 : i32
      %mul3A_53 = arith.muli %scan3A_51, %mul3A_52 : i32
      %add3A_54 = arith.constant 0 : i32
      %add3A_55 = arith.addi %add3A_54, %mul3A_53 : i32
      %mul3A_56 = arith.constant 2 : i32
      %mul3A_57 = arith.muli %mul3A_56, %add3A_55 : i32
      %add3A_58 = arith.constant 1 : i32
      %add3A_59 = arith.addi %mul3A_57, %add3A_58 : i32
      %lt3A_60 = arith.constant 250 : i32
      %lt3A_61 = arith.cmpi slt, %add3A_59, %lt3A_60 : i32
      %convert_element_type3A = arith.extui %lt3A_61 : i1 to i32
      %cond3A = arith.constant 0 : i32
      %cond3A_62 = arith.cmpi ne, %convert_element_type3A, %cond3A : i32
      scf.if %cond3A_62 {
        %add3A_107 = arith.constant 1 : i32
        %add3A_108 = arith.addi %mul3A_57, %add3A_107 : i32
        %mul3A_109 = arith.constant 50 : i32
        %mul3A_110 = arith.muli %add3A_108, %mul3A_109 : i32
        %add3A_111 = arith.addi %mul3A_30, %mul3A_110 : i32
        %mul3A_112 = arith.constant 128 : i32
        %mul3A_113 = arith.muli %add3A_111, %mul3A_112 : i32
        %dma_start3A_114 = arith.constant 0 : i32
        %dma_start3A_115 = tpu.memref_slice %arg2[%select_n3A, %add3A_111, %select_n3A_28, %dma_start3A_114] : memref<2x25000x8x128xf32, #tpu.memory_space<hbm>> -> memref<1x50x1x128xf32, #tpu.memory_space<hbm>>
        %dma_start3A_116 = tpu.memref_squeeze %dma_start3A_115 : memref<1x50x1x128xf32, #tpu.memory_space<hbm>> -> memref<50x128xf32, #tpu.memory_space<hbm>>
        %dma_start3A_117 = arith.constant 0 : i32
        %dma_start3A_118 = tpu.memref_slice %arg2[%select_n3A, %add3A_111, %select_n3A_28, %dma_start3A_117] : memref<2x25000x8x128xf32, #tpu.memory_space<hbm>> -> memref<1x50x1x128xf32, #tpu.memory_space<hbm>>
        %dma_start3A_119 = tpu.memref_squeeze %dma_start3A_118 : memref<1x50x1x128xf32, #tpu.memory_space<hbm>> -> memref<50x128xf32, #tpu.memory_space<hbm>>
        tpu.enqueue_dma source(%dma_start3A_119 : memref<50x128xf32, #tpu.memory_space<hbm>>) target(%arg7 : memref<50x128xf32, #tpu.memory_space<vmem>>) target_semaphore(%arg11 : memref<!tpu.dma_semaphore, #tpu.memory_space<semaphore_mem>>)
        %dma_start3A_120 = tpu.memref_slice %arg3[%mul3A_113] : memref<3200000xi32, #tpu.memory_space<hbm>> -> memref<6400xi32, #tpu.memory_space<hbm>>
        %dma_start3A_121 = tpu.memref_slice %arg3[%mul3A_113] : memref<3200000xi32, #tpu.memory_space<hbm>> -> memref<6400xi32, #tpu.memory_space<hbm>>
        tpu.enqueue_dma source(%dma_start3A_121 : memref<6400xi32, #tpu.memory_space<hbm>>) target(%arg9 : memref<6400xi32, #tpu.memory_space<vmem>>) target_semaphore(%arg13 : memref<!tpu.dma_semaphore, #tpu.memory_space<semaphore_mem>>)
      } else {
      }
      %mul3A_63 = arith.constant 50 : i32
      %mul3A_64 = arith.muli %mul3A_57, %mul3A_63 : i32
      %add3A_65 = arith.addi %mul3A_30, %mul3A_64 : i32
      %mul3A_66 = arith.constant 128 : i32
      %mul3A_67 = arith.muli %add3A_65, %mul3A_66 : i32
      %dma_wait3A = arith.constant 0 : i32
      %dma_wait3A_68 = tpu.memref_slice %arg2[%select_n3A, %add3A_65, %select_n3A_28, %dma_wait3A] : memref<2x25000x8x128xf32, #tpu.memory_space<hbm>> -> memref<1x50x1x128xf32, #tpu.memory_space<hbm>>
      %dma_wait3A_69 = tpu.memref_squeeze %dma_wait3A_68 : memref<1x50x1x128xf32, #tpu.memory_space<hbm>> -> memref<50x128xf32, #tpu.memory_space<hbm>>
      %dma_wait3A_70 = arith.constant 0 : i32
      %dma_wait3A_71 = tpu.memref_slice %arg2[%select_n3A, %add3A_65, %select_n3A_28, %dma_wait3A_70] : memref<2x25000x8x128xf32, #tpu.memory_space<hbm>> -> memref<1x50x1x128xf32, #tpu.memory_space<hbm>>
      %dma_wait3A_72 = tpu.memref_squeeze %dma_wait3A_71 : memref<1x50x1x128xf32, #tpu.memory_space<hbm>> -> memref<50x128xf32, #tpu.memory_space<hbm>>
      tpu.wait_dma2 semaphore(%arg10 : memref<!tpu.dma_semaphore, #tpu.memory_space<semaphore_mem>>) src(%dma_wait3A_72 : memref<50x128xf32, #tpu.memory_space<hbm>>) dst(%arg6 : memref<50x128xf32, #tpu.memory_space<vmem>>)
      %dma_wait3A_73 = tpu.memref_slice %arg3[%mul3A_67] : memref<3200000xi32, #tpu.memory_space<hbm>> -> memref<6400xi32, #tpu.memory_space<hbm>>
      %dma_wait3A_74 = tpu.memref_slice %arg3[%mul3A_67] : memref<3200000xi32, #tpu.memory_space<hbm>> -> memref<6400xi32, #tpu.memory_space<hbm>>
      tpu.wait_dma2 semaphore(%arg12 : memref<!tpu.dma_semaphore, #tpu.memory_space<semaphore_mem>>) src(%dma_wait3A_74 : memref<6400xi32, #tpu.memory_space<hbm>>) dst(%arg8 : memref<6400xi32, #tpu.memory_space<vmem>>)
      %scan3A_75 = arith.constant 0 : i32
      %scan3A_76 = arith.constant 50 : i32
      %scan3A_77 = arith.addi %scan3A_75, %scan3A_76 : i32
      %scan3A_78 = arith.constant 1 : i32
      scf.for %scan3A_107 = %scan3A_75 to %scan3A_77 step %scan3A_78  : i32 {
        %mul3A_108 = arith.constant 1 : i32
        %mul3A_109 = arith.muli %scan3A_107, %mul3A_108 : i32
        %add3A_110 = arith.constant 0 : i32
        %add3A_111 = arith.addi %add3A_110, %mul3A_109 : i32
        %mul3A_112 = arith.constant 128 : i32
        %mul3A_113 = arith.muli %add3A_111, %mul3A_112 : i32
        %add3A_114 = arith.constant 0 : i32
        %add3A_115 = arith.addi %mul3A_113, %add3A_114 : i32
        %get3A = arith.index_cast %add3A_115 : i32 to index
        %get3A_116 = tpu.vector_load %arg8[%get3A] {strides = array<i32>} : memref<6400xi32, #tpu.memory_space<vmem>>, vector<16xi32>,
        %get3A_117 = arith.index_cast %add3A_111 : i32 to index
        %get3A_118 = arith.constant 0 : index
        %get3A_119 = tpu.vector_load %arg6[%get3A_117, %get3A_118] {strides = array<i32>} : memref<50x128xf32, #tpu.memory_space<vmem>>, vector<16xf32>,
        %mul3A_120 = arith.constant 128 : i32
        %mul3A_121 = arith.muli %add3A_111, %mul3A_120 : i32
        %add3A_122 = arith.constant 16 : i32
        %add3A_123 = arith.addi %mul3A_121, %add3A_122 : i32
        %get3A_124 = arith.index_cast %add3A_123 : i32 to index
        %get3A_125 = tpu.vector_load %arg8[%get3A_124] {strides = array<i32>} : memref<6400xi32, #tpu.memory_space<vmem>>, vector<16xi32>,
        %get3A_126 = arith.index_cast %add3A_111 : i32 to index
        %get3A_127 = arith.constant 16 : index
        %get3A_128 = tpu.vector_load %arg6[%get3A_126, %get3A_127] {strides = array<i32>} : memref<50x128xf32, #tpu.memory_space<vmem>>, vector<16xf32>,
        %mul3A_129 = arith.constant 128 : i32
        %mul3A_130 = arith.muli %add3A_111, %mul3A_129 : i32
        %add3A_131 = arith.constant 32 : i32
        %add3A_132 = arith.addi %mul3A_130, %add3A_131 : i32
        %get3A_133 = arith.index_cast %add3A_132 : i32 to index
        %get3A_134 = tpu.vector_load %arg8[%get3A_133] {strides = array<i32>} : memref<6400xi32, #tpu.memory_space<vmem>>, vector<16xi32>,
        %get3A_135 = arith.index_cast %add3A_111 : i32 to index
        %get3A_136 = arith.constant 32 : index
        %get3A_137 = tpu.vector_load %arg6[%get3A_135, %get3A_136] {strides = array<i32>} : memref<50x128xf32, #tpu.memory_space<vmem>>, vector<16xf32>,
        %mul3A_138 = arith.constant 128 : i32
        %mul3A_139 = arith.muli %add3A_111, %mul3A_138 : i32
        %add3A_140 = arith.constant 48 : i32
        %add3A_141 = arith.addi %mul3A_139, %add3A_140 : i32
        %get3A_142 = arith.index_cast %add3A_141 : i32 to index
        %get3A_143 = tpu.vector_load %arg8[%get3A_142] {strides = array<i32>} : memref<6400xi32, #tpu.memory_space<vmem>>, vector<16xi32>,
        %get3A_144 = arith.index_cast %add3A_111 : i32 to index
        %get3A_145 = arith.constant 48 : index
        %get3A_146 = tpu.vector_load %arg6[%get3A_144, %get3A_145] {strides = array<i32>} : memref<50x128xf32, #tpu.memory_space<vmem>>, vector<16xf32>,
        %mul3A_147 = arith.constant 128 : i32
        %mul3A_148 = arith.muli %add3A_111, %mul3A_147 : i32
        %add3A_149 = arith.constant 64 : i32
        %add3A_150 = arith.addi %mul3A_148, %add3A_149 : i32
        %get3A_151 = arith.index_cast %add3A_150 : i32 to index
        %get3A_152 = tpu.vector_load %arg8[%get3A_151] {strides = array<i32>} : memref<6400xi32, #tpu.memory_space<vmem>>, vector<16xi32>,
        %get3A_153 = arith.index_cast %add3A_111 : i32 to index
        %get3A_154 = arith.constant 64 : index
        %get3A_155 = tpu.vector_load %arg6[%get3A_153, %get3A_154] {strides = array<i32>} : memref<50x128xf32, #tpu.memory_space<vmem>>, vector<16xf32>,
        %mul3A_156 = arith.constant 128 : i32
        %mul3A_157 = arith.muli %add3A_111, %mul3A_156 : i32
        %add3A_158 = arith.constant 80 : i32
        %add3A_159 = arith.addi %mul3A_157, %add3A_158 : i32
        %get3A_160 = arith.index_cast %add3A_159 : i32 to index
        %get3A_161 = tpu.vector_load %arg8[%get3A_160] {strides = array<i32>} : memref<6400xi32, #tpu.memory_space<vmem>>, vector<16xi32>,
        %get3A_162 = arith.index_cast %add3A_111 : i32 to index
        %get3A_163 = arith.constant 80 : index
        %get3A_164 = tpu.vector_load %arg6[%get3A_162, %get3A_163] {strides = array<i32>} : memref<50x128xf32, #tpu.memory_space<vmem>>, vector<16xf32>,
        %mul3A_165 = arith.constant 128 : i32
        %mul3A_166 = arith.muli %add3A_111, %mul3A_165 : i32
        %add3A_167 = arith.constant 96 : i32
        %add3A_168 = arith.addi %mul3A_166, %add3A_167 : i32
        %get3A_169 = arith.index_cast %add3A_168 : i32 to index
        %get3A_170 = tpu.vector_load %arg8[%get3A_169] {strides = array<i32>} : memref<6400xi32, #tpu.memory_space<vmem>>, vector<16xi32>,
        %get3A_171 = arith.index_cast %add3A_111 : i32 to index
        %get3A_172 = arith.constant 96 : index
        %get3A_173 = tpu.vector_load %arg6[%get3A_171, %get3A_172] {strides = array<i32>} : memref<50x128xf32, #tpu.memory_space<vmem>>, vector<16xf32>,
        %mul3A_174 = arith.constant 128 : i32
        %mul3A_175 = arith.muli %add3A_111, %mul3A_174 : i32
        %add3A_176 = arith.constant 112 : i32
        %add3A_177 = arith.addi %mul3A_175, %add3A_176 : i32
        %get3A_178 = arith.index_cast %add3A_177 : i32 to index
        %get3A_179 = tpu.vector_load %arg8[%get3A_178] {strides = array<i32>} : memref<6400xi32, #tpu.memory_space<vmem>>, vector<16xi32>,
        %get3A_180 = arith.index_cast %add3A_111 : i32 to index
        %get3A_181 = arith.constant 112 : index
        %get3A_182 = tpu.vector_load %arg6[%get3A_180, %get3A_181] {strides = array<i32>} : memref<50x128xf32, #tpu.memory_space<vmem>>, vector<16xf32>,
        tpu.vector_store_idx %arg5[%get3A_116], %get3A_119 {add = true} : memref<100000xf32, #tpu.memory_space<vmem>>[vector<16xi32>], vector<16xf32>,
        tpu.vector_store_idx %arg5[%get3A_125], %get3A_128 {add = true} : memref<100000xf32, #tpu.memory_space<vmem>>[vector<16xi32>], vector<16xf32>,
        tpu.vector_store_idx %arg5[%get3A_134], %get3A_137 {add = true} : memref<100000xf32, #tpu.memory_space<vmem>>[vector<16xi32>], vector<16xf32>,
        tpu.vector_store_idx %arg5[%get3A_143], %get3A_146 {add = true} : memref<100000xf32, #tpu.memory_space<vmem>>[vector<16xi32>], vector<16xf32>,
        tpu.vector_store_idx %arg5[%get3A_152], %get3A_155 {add = true} : memref<100000xf32, #tpu.memory_space<vmem>>[vector<16xi32>], vector<16xf32>,
        tpu.vector_store_idx %arg5[%get3A_161], %get3A_164 {add = true} : memref<100000xf32, #tpu.memory_space<vmem>>[vector<16xi32>], vector<16xf32>,
        tpu.vector_store_idx %arg5[%get3A_170], %get3A_173 {add = true} : memref<100000xf32, #tpu.memory_space<vmem>>[vector<16xi32>], vector<16xf32>,
        tpu.vector_store_idx %arg5[%get3A_179], %get3A_182 {add = true} : memref<100000xf32, #tpu.memory_space<vmem>>[vector<16xi32>], vector<16xf32>,
      }
      %scan3A_79 = arith.constant 50 : i32
      %add3A_80 = arith.constant 2 : i32
      %add3A_81 = arith.addi %mul3A_57, %add3A_80 : i32
      %lt3A_82 = arith.constant 250 : i32
      %lt3A_83 = arith.cmpi slt, %add3A_81, %lt3A_82 : i32
      %convert_element_type3A_84 = arith.extui %lt3A_83 : i1 to i32
      %cond3A_85 = arith.constant 0 : i32
      %cond3A_86 = arith.cmpi ne, %convert_element_type3A_84, %cond3A_85 : i32
      scf.if %cond3A_86 {
        %add3A_107 = arith.constant 2 : i32
        %add3A_108 = arith.addi %mul3A_57, %add3A_107 : i32
        %mul3A_109 = arith.constant 50 : i32
        %mul3A_110 = arith.muli %add3A_108, %mul3A_109 : i32
        %add3A_111 = arith.addi %mul3A_30, %mul3A_110 : i32
        %mul3A_112 = arith.constant 128 : i32
        %mul3A_113 = arith.muli %add3A_111, %mul3A_112 : i32
        %dma_start3A_114 = arith.constant 0 : i32
        %dma_start3A_115 = tpu.memref_slice %arg2[%select_n3A, %add3A_111, %select_n3A_28, %dma_start3A_114] : memref<2x25000x8x128xf32, #tpu.memory_space<hbm>> -> memref<1x50x1x128xf32, #tpu.memory_space<hbm>>
        %dma_start3A_116 = tpu.memref_squeeze %dma_start3A_115 : memref<1x50x1x128xf32, #tpu.memory_space<hbm>> -> memref<50x128xf32, #tpu.memory_space<hbm>>
        %dma_start3A_117 = arith.constant 0 : i32
        %dma_start3A_118 = tpu.memref_slice %arg2[%select_n3A, %add3A_111, %select_n3A_28, %dma_start3A_117] : memref<2x25000x8x128xf32, #tpu.memory_space<hbm>> -> memref<1x50x1x128xf32, #tpu.memory_space<hbm>>
        %dma_start3A_119 = tpu.memref_squeeze %dma_start3A_118 : memref<1x50x1x128xf32, #tpu.memory_space<hbm>> -> memref<50x128xf32, #tpu.memory_space<hbm>>
        tpu.enqueue_dma source(%dma_start3A_119 : memref<50x128xf32, #tpu.memory_space<hbm>>) target(%arg6 : memref<50x128xf32, #tpu.memory_space<vmem>>) target_semaphore(%arg10 : memref<!tpu.dma_semaphore, #tpu.memory_space<semaphore_mem>>)
        %dma_start3A_120 = tpu.memref_slice %arg3[%mul3A_113] : memref<3200000xi32, #tpu.memory_space<hbm>> -> memref<6400xi32, #tpu.memory_space<hbm>>
        %dma_start3A_121 = tpu.memref_slice %arg3[%mul3A_113] : memref<3200000xi32, #tpu.memory_space<hbm>> -> memref<6400xi32, #tpu.memory_space<hbm>>
        tpu.enqueue_dma source(%dma_start3A_121 : memref<6400xi32, #tpu.memory_space<hbm>>) target(%arg8 : memref<6400xi32, #tpu.memory_space<vmem>>) target_semaphore(%arg12 : memref<!tpu.dma_semaphore, #tpu.memory_space<semaphore_mem>>)
      } else {
      }
      %add3A_87 = arith.constant 1 : i32
      %add3A_88 = arith.addi %mul3A_57, %add3A_87 : i32
      %mul3A_89 = arith.constant 50 : i32
      %mul3A_90 = arith.muli %add3A_88, %mul3A_89 : i32
      %add3A_91 = arith.addi %mul3A_30, %mul3A_90 : i32
      %mul3A_92 = arith.constant 128 : i32
      %mul3A_93 = arith.muli %add3A_91, %mul3A_92 : i32
      %dma_wait3A_94 = arith.constant 0 : i32
      %dma_wait3A_95 = tpu.memref_slice %arg2[%select_n3A, %add3A_91, %select_n3A_28, %dma_wait3A_94] : memref<2x25000x8x128xf32, #tpu.memory_space<hbm>> -> memref<1x50x1x128xf32, #tpu.memory_space<hbm>>
      %dma_wait3A_96 = tpu.memref_squeeze %dma_wait3A_95 : memref<1x50x1x128xf32, #tpu.memory_space<hbm>> -> memref<50x128xf32, #tpu.memory_space<hbm>>
      %dma_wait3A_97 = arith.constant 0 : i32
      %dma_wait3A_98 = tpu.memref_slice %arg2[%select_n3A, %add3A_91, %select_n3A_28, %dma_wait3A_97] : memref<2x25000x8x128xf32, #tpu.memory_space<hbm>> -> memref<1x50x1x128xf32, #tpu.memory_space<hbm>>
      %dma_wait3A_99 = tpu.memref_squeeze %dma_wait3A_98 : memref<1x50x1x128xf32, #tpu.memory_space<hbm>> -> memref<50x128xf32, #tpu.memory_space<hbm>>
      tpu.wait_dma2 semaphore(%arg11 : memref<!tpu.dma_semaphore, #tpu.memory_space<semaphore_mem>>) src(%dma_wait3A_99 : memref<50x128xf32, #tpu.memory_space<hbm>>) dst(%arg7 : memref<50x128xf32, #tpu.memory_space<vmem>>)
      %dma_wait3A_100 = tpu.memref_slice %arg3[%mul3A_93] : memref<3200000xi32, #tpu.memory_space<hbm>> -> memref<6400xi32, #tpu.memory_space<hbm>>
      %dma_wait3A_101 = tpu.memref_slice %arg3[%mul3A_93] : memref<3200000xi32, #tpu.memory_space<hbm>> -> memref<6400xi32, #tpu.memory_space<hbm>>
      tpu.wait_dma2 semaphore(%arg13 : memref<!tpu.dma_semaphore, #tpu.memory_space<semaphore_mem>>) src(%dma_wait3A_101 : memref<6400xi32, #tpu.memory_space<hbm>>) dst(%arg9 : memref<6400xi32, #tpu.memory_space<vmem>>)
      %scan3A_102 = arith.constant 0 : i32
      %scan3A_103 = arith.constant 50 : i32
      %scan3A_104 = arith.addi %scan3A_102, %scan3A_103 : i32
      %scan3A_105 = arith.constant 1 : i32
      scf.for %scan3A_107 = %scan3A_102 to %scan3A_104 step %scan3A_105  : i32 {
        %mul3A_108 = arith.constant 1 : i32
        %mul3A_109 = arith.muli %scan3A_107, %mul3A_108 : i32
        %add3A_110 = arith.constant 0 : i32
        %add3A_111 = arith.addi %add3A_110, %mul3A_109 : i32
        %mul3A_112 = arith.constant 128 : i32
        %mul3A_113 = arith.muli %add3A_111, %mul3A_112 : i32
        %add3A_114 = arith.constant 0 : i32
        %add3A_115 = arith.addi %mul3A_113, %add3A_114 : i32
        %get3A = arith.index_cast %add3A_115 : i32 to index
        %get3A_116 = tpu.vector_load %arg9[%get3A] {strides = array<i32>} : memref<6400xi32, #tpu.memory_space<vmem>>, vector<16xi32>,
        %get3A_117 = arith.index_cast %add3A_111 : i32 to index
        %get3A_118 = arith.constant 0 : index
        %get3A_119 = tpu.vector_load %arg7[%get3A_117, %get3A_118] {strides = array<i32>} : memref<50x128xf32, #tpu.memory_space<vmem>>, vector<16xf32>,
        %mul3A_120 = arith.constant 128 : i32
        %mul3A_121 = arith.muli %add3A_111, %mul3A_120 : i32
        %add3A_122 = arith.constant 16 : i32
        %add3A_123 = arith.addi %mul3A_121, %add3A_122 : i32
        %get3A_124 = arith.index_cast %add3A_123 : i32 to index
        %get3A_125 = tpu.vector_load %arg9[%get3A_124] {strides = array<i32>} : memref<6400xi32, #tpu.memory_space<vmem>>, vector<16xi32>,
        %get3A_126 = arith.index_cast %add3A_111 : i32 to index
        %get3A_127 = arith.constant 16 : index
        %get3A_128 = tpu.vector_load %arg7[%get3A_126, %get3A_127] {strides = array<i32>} : memref<50x128xf32, #tpu.memory_space<vmem>>, vector<16xf32>,
        %mul3A_129 = arith.constant 128 : i32
        %mul3A_130 = arith.muli %add3A_111, %mul3A_129 : i32
        %add3A_131 = arith.constant 32 : i32
        %add3A_132 = arith.addi %mul3A_130, %add3A_131 : i32
        %get3A_133 = arith.index_cast %add3A_132 : i32 to index
        %get3A_134 = tpu.vector_load %arg9[%get3A_133] {strides = array<i32>} : memref<6400xi32, #tpu.memory_space<vmem>>, vector<16xi32>,
        %get3A_135 = arith.index_cast %add3A_111 : i32 to index
        %get3A_136 = arith.constant 32 : index
        %get3A_137 = tpu.vector_load %arg7[%get3A_135, %get3A_136] {strides = array<i32>} : memref<50x128xf32, #tpu.memory_space<vmem>>, vector<16xf32>,
        %mul3A_138 = arith.constant 128 : i32
        %mul3A_139 = arith.muli %add3A_111, %mul3A_138 : i32
        %add3A_140 = arith.constant 48 : i32
        %add3A_141 = arith.addi %mul3A_139, %add3A_140 : i32
        %get3A_142 = arith.index_cast %add3A_141 : i32 to index
        %get3A_143 = tpu.vector_load %arg9[%get3A_142] {strides = array<i32>} : memref<6400xi32, #tpu.memory_space<vmem>>, vector<16xi32>,
        %get3A_144 = arith.index_cast %add3A_111 : i32 to index
        %get3A_145 = arith.constant 48 : index
        %get3A_146 = tpu.vector_load %arg7[%get3A_144, %get3A_145] {strides = array<i32>} : memref<50x128xf32, #tpu.memory_space<vmem>>, vector<16xf32>,
        %mul3A_147 = arith.constant 128 : i32
        %mul3A_148 = arith.muli %add3A_111, %mul3A_147 : i32
        %add3A_149 = arith.constant 64 : i32
        %add3A_150 = arith.addi %mul3A_148, %add3A_149 : i32
        %get3A_151 = arith.index_cast %add3A_150 : i32 to index
        %get3A_152 = tpu.vector_load %arg9[%get3A_151] {strides = array<i32>} : memref<6400xi32, #tpu.memory_space<vmem>>, vector<16xi32>,
        %get3A_153 = arith.index_cast %add3A_111 : i32 to index
        %get3A_154 = arith.constant 64 : index
        %get3A_155 = tpu.vector_load %arg7[%get3A_153, %get3A_154] {strides = array<i32>} : memref<50x128xf32, #tpu.memory_space<vmem>>, vector<16xf32>,
        %mul3A_156 = arith.constant 128 : i32
        %mul3A_157 = arith.muli %add3A_111, %mul3A_156 : i32
        %add3A_158 = arith.constant 80 : i32
        %add3A_159 = arith.addi %mul3A_157, %add3A_158 : i32
        %get3A_160 = arith.index_cast %add3A_159 : i32 to index
        %get3A_161 = tpu.vector_load %arg9[%get3A_160] {strides = array<i32>} : memref<6400xi32, #tpu.memory_space<vmem>>, vector<16xi32>,
        %get3A_162 = arith.index_cast %add3A_111 : i32 to index
        %get3A_163 = arith.constant 80 : index
        %get3A_164 = tpu.vector_load %arg7[%get3A_162, %get3A_163] {strides = array<i32>} : memref<50x128xf32, #tpu.memory_space<vmem>>, vector<16xf32>,
        %mul3A_165 = arith.constant 128 : i32
        %mul3A_166 = arith.muli %add3A_111, %mul3A_165 : i32
        %add3A_167 = arith.constant 96 : i32
        %add3A_168 = arith.addi %mul3A_166, %add3A_167 : i32
        %get3A_169 = arith.index_cast %add3A_168 : i32 to index
        %get3A_170 = tpu.vector_load %arg9[%get3A_169] {strides = array<i32>} : memref<6400xi32, #tpu.memory_space<vmem>>, vector<16xi32>,
        %get3A_171 = arith.index_cast %add3A_111 : i32 to index
        %get3A_172 = arith.constant 96 : index
        %get3A_173 = tpu.vector_load %arg7[%get3A_171, %get3A_172] {strides = array<i32>} : memref<50x128xf32, #tpu.memory_space<vmem>>, vector<16xf32>,
        %mul3A_174 = arith.constant 128 : i32
        %mul3A_175 = arith.muli %add3A_111, %mul3A_174 : i32
        %add3A_176 = arith.constant 112 : i32
        %add3A_177 = arith.addi %mul3A_175, %add3A_176 : i32
        %get3A_178 = arith.index_cast %add3A_177 : i32 to index
        %get3A_179 = tpu.vector_load %arg9[%get3A_178] {strides = array<i32>} : memref<6400xi32, #tpu.memory_space<vmem>>, vector<16xi32>,
        %get3A_180 = arith.index_cast %add3A_111 : i32 to index
        %get3A_181 = arith.constant 112 : index
        %get3A_182 = tpu.vector_load %arg7[%get3A_180, %get3A_181] {strides = array<i32>} : memref<50x128xf32, #tpu.memory_space<vmem>>, vector<16xf32>,
        tpu.vector_store_idx %arg5[%get3A_116], %get3A_119 {add = true} : memref<100000xf32, #tpu.memory_space<vmem>>[vector<16xi32>], vector<16xf32>,
        tpu.vector_store_idx %arg5[%get3A_125], %get3A_128 {add = true} : memref<100000xf32, #tpu.memory_space<vmem>>[vector<16xi32>], vector<16xf32>,
        tpu.vector_store_idx %arg5[%get3A_134], %get3A_137 {add = true} : memref<100000xf32, #tpu.memory_space<vmem>>[vector<16xi32>], vector<16xf32>,
        tpu.vector_store_idx %arg5[%get3A_143], %get3A_146 {add = true} : memref<100000xf32, #tpu.memory_space<vmem>>[vector<16xi32>], vector<16xf32>,
        tpu.vector_store_idx %arg5[%get3A_152], %get3A_155 {add = true} : memref<100000xf32, #tpu.memory_space<vmem>>[vector<16xi32>], vector<16xf32>,
        tpu.vector_store_idx %arg5[%get3A_161], %get3A_164 {add = true} : memref<100000xf32, #tpu.memory_space<vmem>>[vector<16xi32>], vector<16xf32>,
        tpu.vector_store_idx %arg5[%get3A_170], %get3A_173 {add = true} : memref<100000xf32, #tpu.memory_space<vmem>>[vector<16xi32>], vector<16xf32>,
        tpu.vector_store_idx %arg5[%get3A_179], %get3A_182 {add = true} : memref<100000xf32, #tpu.memory_space<vmem>>[vector<16xi32>], vector<16xf32>,
      }
      %scan3A_106 = arith.constant 50 : i32
    }
    %scan3A_50 = arith.constant 125 : i32
    "tpu.region"() ({
      %run_scoped3A = tpu.sem_alloc : memref<!tpu.dma_semaphore, #tpu.memory_space<semaphore_mem>>
      %dma_start3A_51 = arith.constant 0 : i32
      %dma_start3A_52 = tpu.memref_slice %arg4[%arg0, %arg1, %dma_start3A_51] : memref<2x16x100000xf32, #tpu.memory_space<hbm>> -> memref<1x1x100000xf32, #tpu.memory_space<hbm>>
      %dma_start3A_53 = tpu.memref_squeeze %dma_start3A_52 : memref<1x1x100000xf32, #tpu.memory_space<hbm>> -> memref<100000xf32, #tpu.memory_space<hbm>>
      %dma_start3A_54 = arith.constant 0 : i32
      %dma_start3A_55 = tpu.memref_slice %arg4[%arg0, %arg1, %dma_start3A_54] : memref<2x16x100000xf32, #tpu.memory_space<hbm>> -> memref<1x1x100000xf32, #tpu.memory_space<hbm>>
      %dma_start3A_56 = tpu.memref_squeeze %dma_start3A_55 : memref<1x1x100000xf32, #tpu.memory_space<hbm>> -> memref<100000xf32, #tpu.memory_space<hbm>>
      tpu.enqueue_dma source(%arg5 : memref<100000xf32, #tpu.memory_space<vmem>>) target(%dma_start3A_56 : memref<100000xf32, #tpu.memory_space<hbm>>) target_semaphore(%run_scoped3A : memref<!tpu.dma_semaphore, #tpu.memory_space<semaphore_mem>>)
      %dma_wait3A = arith.constant 0 : i32
      %dma_wait3A_57 = tpu.memref_slice %arg4[%arg0, %arg1, %dma_wait3A] : memref<2x16x100000xf32, #tpu.memory_space<hbm>> -> memref<1x1x100000xf32, #tpu.memory_space<hbm>>
      %dma_wait3A_58 = tpu.memref_squeeze %dma_wait3A_57 : memref<1x1x100000xf32, #tpu.memory_space<hbm>> -> memref<100000xf32, #tpu.memory_space<hbm>>
      %dma_wait3A_59 = arith.constant 0 : i32
      %dma_wait3A_60 = tpu.memref_slice %arg4[%arg0, %arg1, %dma_wait3A_59] : memref<2x16x100000xf32, #tpu.memory_space<hbm>> -> memref<1x1x100000xf32, #tpu.memory_space<hbm>>
      %dma_wait3A_61 = tpu.memref_squeeze %dma_wait3A_60 : memref<1x1x100000xf32, #tpu.memory_space<hbm>> -> memref<100000xf32, #tpu.memory_space<hbm>>
      tpu.wait_dma2 semaphore(%run_scoped3A : memref<!tpu.dma_semaphore, #tpu.memory_space<semaphore_mem>>) src(%arg5 : memref<100000xf32, #tpu.memory_space<vmem>>) dst(%dma_wait3A_61 : memref<100000xf32, #tpu.memory_space<hbm>>)
      tpu.yield
    }) : () -> ()
    return
  }
}

module attributes {stable_mosaic.version = 14 : i64} {
  func.func @_gru_body(%arg0: i32, %arg1: memref<2x16x4096xf32, #tpu.memory_space<vmem>>, %arg2: memref<4096x128xf32, #tpu.memory_space<vmem>>, %arg3: memref<384x16xf32, #tpu.memory_space<vmem>>, %arg4: memref<384x128xf32, #tpu.memory_space<vmem>>, %arg5: memref<1x384xf32, #tpu.memory_space<vmem>>, %arg6: memref<1x128xf32, #tpu.memory_space<vmem>>, %arg7: memref<4096x128xf32, #tpu.memory_space<vmem>>) attributes {dimension_semantics = [#tpu.dimension_semantics<arbitrary>], iteration_bounds = array<i64: 25>, scalar_prefetch = 0 : i64, scratch_operands = 0 : i64, tpu.core_type = #tpu.core_type<tc>, window_params = [{transform_indices = @transform_0, window_bounds = array<i64: 2, 16, 4096>}, {transform_indices = @transform_1, window_bounds = array<i64: 4096, 128>}, {pipeline_mode = #tpu.pipeline_mode<synchronous>, transform_indices = @transform_2, window_bounds = array<i64: 384, 16>}, {pipeline_mode = #tpu.pipeline_mode<synchronous>, transform_indices = @transform_3, window_bounds = array<i64: 384, 128>}, {pipeline_mode = #tpu.pipeline_mode<synchronous>, transform_indices = @transform_4, window_bounds = array<i64: 1, 384>}, {pipeline_mode = #tpu.pipeline_mode<synchronous>, transform_indices = @transform_5, window_bounds = array<i64: 1, 128>}, {transform_indices = @transform_6, window_bounds = array<i64: 4096, 128>}]} {
    %get3A = arith.constant 0 : index
    %get3A_0 = arith.constant 0 : index
    %get3A_1 = arith.constant 0 : index
    %get3A_2 = vector.load %arg1[%get3A, %get3A_0, %get3A_1] : memref<2x16x4096xf32, #tpu.memory_space<vmem>>, vector<1x16x4096xf32>
    %get3A_3 = vector.shape_cast %get3A_2 : vector<1x16x4096xf32> to vector<16x4096xf32>
    %get3A_4 = arith.constant 1 : index
    %get3A_5 = arith.constant 0 : index
    %get3A_6 = arith.constant 0 : index
    %get3A_7 = vector.load %arg1[%get3A_4, %get3A_5, %get3A_6] : memref<2x16x4096xf32, #tpu.memory_space<vmem>>, vector<1x16x4096xf32>
    %get3A_8 = vector.shape_cast %get3A_7 : vector<1x16x4096xf32> to vector<16x4096xf32>
    %add3A = arith.addf %get3A_3, %get3A_8 : vector<16x4096xf32>
    %get3A_9 = arith.constant 0 : index
    %get3A_10 = arith.constant 0 : index
    %get3A_11 = vector.load %arg2[%get3A_9, %get3A_10] : memref<4096x128xf32, #tpu.memory_space<vmem>>, vector<4096x128xf32>
    %convert_element_type3A = arith.truncf %add3A : vector<16x4096xf32> to vector<16x4096xbf16>
    %get3A_12 = arith.constant 0 : index
    %get3A_13 = arith.constant 0 : index
    %get3A_14 = vector.load %arg3[%get3A_12, %get3A_13] : memref<384x16xf32, #tpu.memory_space<vmem>>, vector<384x16xf32>
    %convert_element_type3A_15 = arith.truncf %get3A_14 : vector<384x16xf32> to vector<384x16xbf16>
    %dot_general3A = arith.constant dense<0.000000e+00> : vector<4096x384xf32>
    %dot_general3A_16 = tpu.matmul %convert_element_type3A, %convert_element_type3A_15, %dot_general3A {dimension_numbers = #tpu.dot_dimension_numbers<[0], [1], [1], [0], [0, 1, 1, 0], [], []>, transpose_lhs_hint = false} : vector<16x4096xbf16>, vector<384x16xbf16>, vector<4096x384xf32> -> vector<4096x384xf32>
    %get3A_17 = arith.constant 0 : index
    %get3A_18 = arith.constant 0 : index
    %get3A_19 = vector.load %arg5[%get3A_17, %get3A_18] : memref<1x384xf32, #tpu.memory_space<vmem>>, vector<1x384xf32>
    %add3A_20 = vector.broadcast %get3A_19 : vector<1x384xf32> to vector<4096x384xf32>
    %add3A_21 = arith.addf %dot_general3A_16, %add3A_20 : vector<4096x384xf32>
    %convert_element_type3A_22 = arith.truncf %get3A_11 : vector<4096x128xf32> to vector<4096x128xbf16>
    %get3A_23 = arith.constant 0 : index
    %get3A_24 = arith.constant 0 : index
    %get3A_25 = vector.load %arg4[%get3A_23, %get3A_24] : memref<384x128xf32, #tpu.memory_space<vmem>>, vector<384x128xf32>
    %convert_element_type3A_26 = arith.truncf %get3A_25 : vector<384x128xf32> to vector<384x128xbf16>
    %dot_general3A_27 = arith.constant dense<0.000000e+00> : vector<4096x384xf32>
    %dot_general3A_28 = tpu.matmul %convert_element_type3A_22, %convert_element_type3A_26, %dot_general3A_27 {dimension_numbers = #tpu.dot_dimension_numbers<[1], [1], [0], [0], [0, 0, 1, 0], [], []>, transpose_lhs_hint = false} : vector<4096x128xbf16>, vector<384x128xbf16>, vector<4096x384xf32> -> vector<4096x384xf32>
    %slice3A = vector.extract_strided_slice %add3A_21 {offsets = [0, 0], sizes = [4096, 128], strides = [1, 1]} : vector<4096x384xf32> to vector<4096x128xf32>
    %slice3A_29 = vector.extract_strided_slice %add3A_21 {offsets = [0, 128], sizes = [4096, 128], strides = [1, 1]} : vector<4096x384xf32> to vector<4096x128xf32>
    %slice3A_30 = vector.extract_strided_slice %add3A_21 {offsets = [0, 256], sizes = [4096, 128], strides = [1, 1]} : vector<4096x384xf32> to vector<4096x128xf32>
    %slice3A_31 = vector.extract_strided_slice %dot_general3A_28 {offsets = [0, 0], sizes = [4096, 128], strides = [1, 1]} : vector<4096x384xf32> to vector<4096x128xf32>
    %slice3A_32 = vector.extract_strided_slice %dot_general3A_28 {offsets = [0, 128], sizes = [4096, 128], strides = [1, 1]} : vector<4096x384xf32> to vector<4096x128xf32>
    %slice3A_33 = vector.extract_strided_slice %dot_general3A_28 {offsets = [0, 256], sizes = [4096, 128], strides = [1, 1]} : vector<4096x384xf32> to vector<4096x128xf32>
    %add3A_34 = arith.addf %slice3A, %slice3A_31 : vector<4096x128xf32>
    %mul3A = arith.constant 5.000000e-01 : f32
    %mul3A_35 = vector.broadcast %mul3A : f32 to vector<4096x128xf32>
    %mul3A_36 = arith.mulf %mul3A_35, %add3A_34 : vector<4096x128xf32>
    %tanh3A = math.tanh %mul3A_36 : vector<4096x128xf32>
    %mul3A_37 = arith.constant 5.000000e-01 : f32
    %mul3A_38 = vector.broadcast %mul3A_37 : f32 to vector<4096x128xf32>
    %mul3A_39 = arith.mulf %mul3A_38, %tanh3A : vector<4096x128xf32>
    %add3A_40 = arith.constant 5.000000e-01 : f32
    %add3A_41 = vector.broadcast %add3A_40 : f32 to vector<4096x128xf32>
    %add3A_42 = arith.addf %mul3A_39, %add3A_41 : vector<4096x128xf32>
    %add3A_43 = arith.addf %slice3A_29, %slice3A_32 : vector<4096x128xf32>
    %mul3A_44 = arith.constant 5.000000e-01 : f32
    %mul3A_45 = vector.broadcast %mul3A_44 : f32 to vector<4096x128xf32>
    %mul3A_46 = arith.mulf %mul3A_45, %add3A_43 : vector<4096x128xf32>
    %tanh3A_47 = math.tanh %mul3A_46 : vector<4096x128xf32>
    %mul3A_48 = arith.constant 5.000000e-01 : f32
    %mul3A_49 = vector.broadcast %mul3A_48 : f32 to vector<4096x128xf32>
    %mul3A_50 = arith.mulf %mul3A_49, %tanh3A_47 : vector<4096x128xf32>
    %add3A_51 = arith.constant 5.000000e-01 : f32
    %add3A_52 = vector.broadcast %add3A_51 : f32 to vector<4096x128xf32>
    %add3A_53 = arith.addf %mul3A_50, %add3A_52 : vector<4096x128xf32>
    %get3A_54 = arith.constant 0 : index
    %get3A_55 = arith.constant 0 : index
    %get3A_56 = vector.load %arg6[%get3A_54, %get3A_55] : memref<1x128xf32, #tpu.memory_space<vmem>>, vector<1x128xf32>
    %add3A_57 = vector.broadcast %get3A_56 : vector<1x128xf32> to vector<4096x128xf32>
    %add3A_58 = arith.addf %slice3A_33, %add3A_57 : vector<4096x128xf32>
    %mul3A_59 = arith.mulf %add3A_42, %add3A_58 : vector<4096x128xf32>
    %add3A_60 = arith.addf %slice3A_30, %mul3A_59 : vector<4096x128xf32>
    %tanh3A_61 = math.tanh %add3A_60 : vector<4096x128xf32>
    %sub3A = arith.subf %get3A_11, %tanh3A_61 : vector<4096x128xf32>
    %mul3A_62 = arith.mulf %add3A_53, %sub3A : vector<4096x128xf32>
    %add3A_63 = arith.addf %tanh3A_61, %mul3A_62 : vector<4096x128xf32>
    %swap3A = arith.constant 0 : index
    %swap3A_64 = arith.constant 0 : index
    %swap3A_65 = vector.load %arg7[%swap3A, %swap3A_64] : memref<4096x128xf32, #tpu.memory_space<vmem>>, vector<4096x128xf32>
    tpu.vector_store %arg7[%swap3A, %swap3A_64], %add3A_63 {strides = array<i32>} : memref<4096x128xf32, #tpu.memory_space<vmem>>, vector<4096x128xf32>,
    return
  }
  func.func @transform_0(%arg0: i32) -> (i32, i32, i32) {
    %c0_i32 = arith.constant 0 : i32
    %c0_i32_0 = arith.constant 0 : i32
    %c0_i32_1 = arith.constant 0 : i32
    return %c0_i32, %c0_i32_0, %arg0 : i32, i32, i32
  }
  func.func @transform_1(%arg0: i32) -> (i32, i32) {
    %c0_i32 = arith.constant 0 : i32
    %c0_i32_0 = arith.constant 0 : i32
    return %arg0, %c0_i32 : i32, i32
  }
  func.func @transform_2(%arg0: i32) -> (i32, i32) {
    %c0_i32 = arith.constant 0 : i32
    %c0_i32_0 = arith.constant 0 : i32
    %c0_i32_1 = arith.constant 0 : i32
    return %c0_i32, %c0_i32_0 : i32, i32
  }
  func.func @transform_3(%arg0: i32) -> (i32, i32) {
    %c0_i32 = arith.constant 0 : i32
    %c0_i32_0 = arith.constant 0 : i32
    %c0_i32_1 = arith.constant 0 : i32
    return %c0_i32, %c0_i32_0 : i32, i32
  }
  func.func @transform_4(%arg0: i32) -> (i32, i32) {
    %c0_i32 = arith.constant 0 : i32
    %c0_i32_0 = arith.constant 0 : i32
    %c0_i32_1 = arith.constant 0 : i32
    return %c0_i32, %c0_i32_0 : i32, i32
  }
  func.func @transform_5(%arg0: i32) -> (i32, i32) {
    %c0_i32 = arith.constant 0 : i32
    %c0_i32_0 = arith.constant 0 : i32
    %c0_i32_1 = arith.constant 0 : i32
    return %c0_i32, %c0_i32_0 : i32, i32
  }
  func.func @transform_6(%arg0: i32) -> (i32, i32) {
    %c0_i32 = arith.constant 0 : i32
    %c0_i32_0 = arith.constant 0 : i32
    return %arg0, %c0_i32 : i32, i32
  }
}

</mosaic_0001>

<sc_bundles>
// kernel: kernel.4.cloned.1.call-start
scs
__scs_entry_jumppad:
0x0: {  	(pc) =	sbr.rel $0x88, $3  }
0x1: {  	(tag) =	ssettag $0x0;
	lr =	simm.s32 $0x1  }
0x2: {  	[smem:$0x3F9A] =	sst lr;
	_ =	strace $0xD0000000  }
0x3: {  	_ = 	snop  }
0x4: {  	_ = 	snop  }
0x5: {  	_ = 	snop  }
0x6: {  	_ = 	snop  }
0x7: {  	_ = 	snop  }
__scs_overlays_trampoline_lowered:
0x8: {  	[smem:$0x3FA9] =	sst s0  }
0x9: {  	[smem:$0x3FAA] =	sst s1  }
0xa: {  	[smem:$0x3FAB] =	sst s2  }
0xb: {  	[smem:$0x3FAC] =	sst s3  }
0xc: {  	[smem:$0x3FAD] =	sst s4  }
0xd: {  	[smem:$0x3FAE] =	sst s5  }
0xe: {  	[smem:$0x3FAF] =	sst s6  }
0xf: {  	[smem:$0x3FB0] =	sst s7  }
0x10: {  	[smem:$0x3FB1] =	sst s8  }
0x11: {  	[smem:$0x3FB2] =	sst s9;
	s0 =	simm.s32 @!p0 $0x0  }
0x12: {  	s1 =	sld [smem:$0x3F98];
	s0 =	simm.s32 @p0 $0x1  }
0x13: {  	[smem:$0x3FB3] =	sst s0;
	s0 =	simm.s32 @!p1 $0x0  }
0x14: {  	s2 =	sld [smem:$0x3F97];
	s0 =	simm.s32 @p1 $0x1  }
0x15: {  	[smem:$0x3FB4] =	sst s0;
	s0 =	simm.s32 @!p2 $0x0  }
0x16: {  	s3 =	sld [smem:$0x3FDB];
	s0 =	simm.s32 @p2 $0x1  }
0x17: {  	s4 =	simm.s32 $0x1BF5;
	[smem:$0x3FB6] =	sst s0  }
0x18: {  	s0 =	sld [smem:$0x3F99];
	_ =	swait.ge [sflag:s4], $0x0  }
0x19: {  	s7 =	sld [smem:$0x3F9A]  }
0x1a: {  	s8 =	sadd.s32 $0xFFFFE003, lr  }
0x1b: {  	s9 =	sadd.s32 $0xFFFFFEF7, lr;
	s5 =	simm.s32 $0xFFFFFFFF;
	p2 =	slt.u32 s8, $0xFFFFF086  }
0x1c: {  	p1 =	slt.u32 s9, $0xF7A;
	s5 =	simm.s32 @!p2 $0x0  }
0x1d: {  	s5 =	simm.s32 @p1 $0x1;
	p0 =	seq.s32 s7, s2  }
0x1e: {  	s7 =	smul.u32 @!p0 $0xF7A, s2;
	p2 =	seq.s32 @!p0 s5, $0x0  }
0x1f: {  	s9 =	smul.u32 $0xF7A, s1;
	s8 =	simm.s32 @!p0 $0x1BF5;
	p2 =	por !p2, p0  }
0x20: {  	[sflag:s8] =	ssyncset.s32 @!p0 $0xFFFFF086;
	s6 =	sadd.s32 @!p0 s3, s7;
	s7 =	simm.s32 @!p0 $0x108  }
0x21: {  	s3 =	sadd.s32 s3, s9;
	s6 =	sadd.s32 @!p0 $0x88, s6;
	s7 =	simm.s32 @p2 $0x1082  }
0x22: {  	[simem:s7], [sflag:s8] =	dma.local @!p0 [hbm:s6], $0xF7A  }
0x23: {  	s9 =	sor.u32 $0xD0000000, s2;
	s6 =	simm.s32 $0x108;
	_ =	swait.ge @!p0 [sflag:s8], $0x0  }
0x24: {  	s3 =	sadd.s32 $0x88, s3;
	s6 =	simm.s32 @!p1 $0x1082;
	[sflag:s4] =	ssyncset.s32 $0xFFFFF086  }
0x25: {  	[simem:s6], [sflag:s4] =	dma.local [hbm:s3], $0xF7A  }
0x26: {  	[smem:$0x3F9A] =	sst s1;
	(tag) =	ssettag s2;
	_ =	strace s9  }
0x27: {  	s1 =	sld [smem:$0x3FAA]  }
0x28: {  	s2 =	sld [smem:$0x3FAB]  }
0x29: {  	s4 =	sld [smem:$0x3FAD]  }
0x2a: {  	p0 =	seq.s32 s5, $0x0;
	s5 =	sld [smem:$0x3FAE]  }
0x2b: {  	s6 =	sld [smem:$0x3FAF]  }
0x2c: {  	s7 =	sld [smem:$0x3FB0]  }
0x2d: {  	s3 =	simm.s32 $0x108;
	s8 =	sld [smem:$0x3FB1]  }
0x2e: {  	s3 =	simm.s32 @!p0 $0x1082;
	s9 =	sld [smem:$0x3FB2]  }
0x2f: {  	lr =	sadd.s32 s0, s3;
	s0 =	sld [smem:$0x3FA9]  }
0x30: {  	s3 =	sld [smem:$0x3FAC]  }
0x31: {  	[smem:$0x3FB5] =	sst s10  }
0x32: {  	s10 =	sld [smem:$0x3FB3];
	_ =	sdelay $0x3  }
0x33: {  	p0 =	seq.s32 s10, $0x1;
	s10 =	sld [smem:$0x3FB5];
	_ =	sdelay $0x3  }
0x34: {  	[smem:$0x3FB5] =	sst s10  }
0x35: {  	s10 =	sld [smem:$0x3FB4];
	_ =	sdelay $0x3  }
0x36: {  	p1 =	seq.s32 s10, $0x1;
	s10 =	sld [smem:$0x3FB5];
	_ =	sdelay $0x3  }
0x37: {  	[smem:$0x3FB5] =	sst s10  }
0x38: {  	s10 =	sld [smem:$0x3FB6]  }
0x39: {  	_ = 	snop;
	(pc) =	sbr.ind lr, $3  }
0x3a: {  	_ = 	snop  }
0x3b: {  	_ = 	snop  }
0x3c: {  	p2 =	seq.s32 s10, $0x1;
	s10 =	sld [smem:$0x3FB5]  }
0x3d: {  	_ =	shalt  }
0x3e: {  	_ =	shalt  }
0x3f: {  	_ =	shalt  }
0x40: {  	_ =	shalt  }
0x41: {  	_ =	shalt  }
0x42: {  	_ =	shalt  }
0x43: {  	_ =	shalt  }
0x44: {  	_ =	shalt  }
0x45: {  	_ =	shalt  }
0x46: {  	_ =	shalt  }
0x47: {  	_ =	shalt  }
0x48: {  	_ =	shalt  }
0x49: {  	_ =	shalt  }
0x4a: {  	_ =	shalt  }
0x4b: {  	_ =	shalt  }
0x4c: {  	_ =	shalt  }
0x4d: {  	_ =	shalt  }
0x4e: {  	_ =	shalt  }
0x4f: {  	_ =	shalt  }
0x50: {  	_ =	shalt  }
0x51: {  	_ =	shalt  }
0x52: {  	_ =	shalt  }
0x53: {  	_ =	shalt  }
0x54: {  	_ =	shalt  }
0x55: {  	_ =	shalt  }
0x56: {  	_ =	shalt  }
0x57: {  	_ =	shalt  }
0x58: {  	_ =	shalt  }
0x59: {  	_ =	shalt  }
0x5a: {  	_ =	shalt  }
0x5b: {  	_ =	shalt  }
0x5c: {  	_ =	shalt  }
0x5d: {  	_ =	shalt  }
0x5e: {  	_ =	shalt  }
0x5f: {  	_ =	shalt  }
0x60: {  	_ =	shalt  }
0x61: {  	_ =	shalt  }
0x62: {  	_ =	shalt  }
0x63: {  	_ =	shalt  }
0x64: {  	_ =	shalt  }
0x65: {  	_ =	shalt  }
0x66: {  	_ =	shalt  }
0x67: {  	_ =	shalt  }
0x68: {  	_ =	shalt  }
0x69: {  	_ =	shalt  }
0x6a: {  	_ =	shalt  }
0x6b: {  	_ =	shalt  }
0x6c: {  	_ =	shalt  }
0x6d: {  	_ =	shalt  }
0x6e: {  	_ =	shalt  }
0x6f: {  	_ =	shalt  }
0x70: {  	_ =	shalt  }
0x71: {  	_ =	shalt  }
0x72: {  	_ =	shalt  }
0x73: {  	_ =	shalt  }
0x74: {  	_ =	shalt  }
0x75: {  	_ =	shalt  }
0x76: {  	_ =	shalt  }
0x77: {  	_ =	shalt  }
0x78: {  	_ =	shalt  }
0x79: {  	_ =	shalt  }
0x7a: {  	_ =	shalt  }
0x7b: {  	_ =	shalt  }
0x7c: {  	_ =	shalt  }
0x7d: {  	_ =	shalt  }
0x7e: {  	_ =	shalt  }
0x7f: {  	_ =	shalt  }
0x80: {  	_ =	shalt  }
0x81: {  	_ =	shalt  }
0x82: {  	_ =	shalt  }
0x83: {  	_ =	shalt  }
0x84: {  	_ =	shalt  }
0x85: {  	_ =	shalt  }
0x86: {  	_ =	shalt  }
0x87: {  	_ =	shalt  }
.Lfunc_end0:
.L_simem_size_0:
called_computation_lowered:
.L_overlay_start_0:
0x88: {  	s2 =	sld [smem:$0x3FD9]  }
0x89: {  	s3 =	sld [smem:$0x3FFE];
	_ =	sdelay $0x1  }
0x8a: {  	s1 =	srdreg.scid  }
0x8b: {  	s0 =	sand.u32 $0x1, s1  }
0x8c: {  	s18 =	sshll.u32 s0, $0xA;
	s2 =	sadd.s32 s3, s2  }
0x8d: {  	s2 =	sadd.s32 s2, s18  }
0x8e: {  	[smem:$0x3FC1] =	sst s2  }
0x8f: {  	_ = 	snop  }
0x90: {  	s2 =	sld [smem:$0x3FC8]  }
0x91: {  	s19 =	sld [smem:$0x3FC7]  }
0x92: {  	s4 =	sld [smem:$0x3FD0];
	(tm) =	ssettm $0x1  }
0x93: {  	s5 =	sld [smem:$0x3FFB];
	_ =	sdelay $0x3  }
0x94: {  	_ =	strace s5  }
0x95: {  	s5 =	sld [smem:$0x3FFC];
	_ =	sdelay $0x3  }
0x96: {  	_ =	strace s5  }
0x97: {  	s5 =	sld [smem:$0x3FFD];
	_ =	sdelay $0x3  }
0x98: {  	_ =	strace s5  }
0x99: {  	_ =	strace $0x8FFFFFFF  }
0x9a: {  	s20 =	sld [smem:$0x3FDB];
	_ =	sdelay $0x1  }
0x9b: {  	s6 =	simm.s32 $_scs_section_size  }
0x9c: {  	s7 =	simm.s32 $_size__tile_overlayer_lowered;
	s8 =	simm.s32 $_tile_overlayer_lowered  }
0x9d: {  	s23 =	simm.s32 $0x1BFF;
	s22 =	sshll.u32 s8, $0x1;
	s5 =	sadd.s32 s6, s20  }
0x9e: {  	s9 =	simm.s32 $0x0;
	s21 =	sshll.u32 s7, $0x1;
	s7 =	sadd.s32 s22, s5  }
0x9f: {  	[timem:s9], [sflag:s23] =	dma.local [hbm:s7], s21  }
0xa0: {  	_ =	swait.ge [sflag:s23], s21  }
0xa1: {  	s6 =	ssub.s32 $0x0, s21;
	[sflag:s23] =	ssyncset.done $0x0  }
0xa2: {  	[sflag:s23] =	ssyncadd.s32 s6;
	_ =	sdelay $0x1  }
0xa3: {  	s24 =	simm.s32 $0x1B8B  }
0xa4: {  	_ =	swait.ge [sflag:s24], $0x1  }
0xa5: {  	[sflag:s24] =	ssyncset.done $0x0  }
0xa6: {  	s25 =	simm.s32 $0x1B8E;
	[sflag:s24] =	ssyncadd.s32 $0xFFFFFFFF  }
0xa7: {  	s26 =	simm.s32 $execute0_lowered;
	[smem:$0x3FD2] =	sst s25  }
0xa8: {  	s6 =	sshll.u32 s26, $0x1;
	_ =	strace $0x80000046;
	[dreg:$0x1] =	wrdreg $0xFFFFFFFF  }
0xa9: {  	s28 =	simm.s32 $_size_execute0_lowered;
	s5 =	sadd.s32 s5, s6;
	[dreg:$0x0] =	wrdreg $0x0  }
0xaa: {  	s6 =	sshll.u32 s28, $0x1;
	[dreg:$0x2] =	wrdreg s5  }
0xab: {  	[dreg:$0x3] =	wrdreg s6  }
0xac: {  	[dreg:$0x4] =	wrdreg $0xC0  }
0xad: {  	_ =	task [dreg:s9], $0x5FFFF  }
0xae: {  	[dreg:$0x1] =	wrdreg $0xFFFFFFFF  }
0xaf: {  	[dreg:$0x0] =	wrdreg $0x60  }
0xb0: {  	[dreg:$0x2] =	wrdreg s2  }
0xb1: {  	[dreg:$0x3] =	wrdreg s19  }
0xb2: {  	[dreg:$0x4] =	wrdreg s4  }
0xb3: {  	[dreg:$0x5] =	wrdreg $0x9  }
0xb4: {  	_ =	task.clear_ibuf [dreg:s9], $0x6FFFF;
	_ =	strace $0x90000046  }
0xb5: {  	s29 =	simm.s32 $0x9;
	_ =	strace $0x80000048  }
0xb6: {  	_ =	swait.ge [sflag:s29], $0x1  }
0xb7: {  	[sflag:s29] =	ssyncadd.s32 $0xFFFFFFFF  }
0xb8: {  	_ =	strace $0x90000048  }
0xb9: {  	_ =	sfence  }
0xba: {  	s30 =	sld [smem:$0x0];
	_ =	sdelay $0x2  }
0xbb: {  	s31 =	sshll.u32 s1, $0xD;
	s1 =	sshrl.u32 s1, $0x2  }
0xbc: {  	s3 =	sand.u32 $0x4000, s31;
	s1 =	sadd.s32 s1, s30  }
0xbd: {  	s0 =	sor.u32 s3, s0;
	s1 =	sshll.u32 s1, $0x11  }
0xbe: {  	s0 =	sor.u32 s1, s0  }
0xbf: {  	s0 =	sadd.s32 $0x8F2B, s0  }
0xc0: {  	[sflag:s0] =	ssyncadd.remote.s32 $0x1  }
0xc1: {  	_ =	sfence.sel $0xFFFF  }
0xc2: {  	[dreg:$0x0] =	wrdreg $0xFFFFFFFF;
	(pc) =	sbr.abs _section_cstart, $3  }
0xc3: {  	[dreg:$0x1] =	wrdreg $0xFFFFFFFF  }
0xc4: {  	_ =	task.clear_ibuf [dreg:s9], $0x2FFFF;
	_ =	strace $0x9FFFFFFF  }
0xc5: {  	(tm) =	ssettm $0x7FFFFFFF  }
tec
execute0_lowered:
.L_overlay_start_1:
0x0: {  	(tag) =	ssettag $0x1  }
0x1: {  	s2 =	rddreg [dreg:$0x0]  }
0x2: {  	s3 =	rddreg [dreg:$0x1]  }
0x3: {  	s10 =	rddreg [dreg:$0x2];
	s1 =	stileid.u32  }
0x4: {  	s0 =	rddreg [dreg:$0x3];
	s5 =	srdreg.scid;
	s4 =	simm.s32 $0x0  }
0x5: {  	s14 =	simm.s32 $0x186A0;
	s15 =	simm.s32 $0x1B8A0;
	s16 =	simm.s32 $0x19FA0  }
0x6: {  	s17 =	simm.s32 $0x1D1A0;
	s18 =	simm.s32 $0x1;
	s19 =	simm.s32 $0x3  }
0x7: {  	s20 =	simm.s32 $0x2;
	s21 =	simm.s32 $0x4;
	s22 =	simm.s32 $0x5  }
0x8: {  	s23 =	simm.s32 $0x0;
	s6 =	sshrl.u32 s1, $0x3;
	s26 =	smul.u32 $0x186A0, s1  }
0x9: {  	s5 =	sand.u32 $0x1, s5;
	[smem:$0x7FF] =	sst s4;
	s8 =	smul.u32 $0x186A000, s6  }
0xa: {  	s11 =	sshll.u32 s1, $0x7;
	s7 =	smul.u32 $0xC35000, s5;
	_ =	strace $0x80000047  }
0xb: {  	s24 =	ssub.s32 $0x2, s5;
	s12 =	smul.u32 $0x186A00, s5;
	s11 =	sand.u32 $0x380, s11  }
0xc: {  	s28 =	smul.u32 $0x30D4, s5;
	s9 =	sshrl.u32 s24, $0x1;
	s7 =	sadd.s32 s7, s8  }
0xd: {  	s13 =	ssub.s32 s24, s9;
	s30 =	sshrl.u32 s12, $0x3;
	s12 =	sadd.s32 s26, s12  }
0xe: {  	s8 =	sor.u32 s11, s8;
	s9 =	sadd.s32 $0x64, s28;
	s25 =	sor.u32 s11, s7  }
0xf: {  	s6 =	sadd.s32 s3, s30;
	s7 =	sadd.s32 $0x32, s28;
	s31 =	sshrl.u32 s12, $0x3  }
0x10: {  	s11 =	smax.u32 s13, $0x1;
	s12 =	simm.s32 $0x80;
	s29 =	sshrl.u32 s25, $0x3  }
0x11: {  	v0 =	vimm.f32 $0.0e+00;
	s13 =	simm.s32 $0x400;
	s10 =	sadd.s32 s10, s31;
	s5 =	sadd.s32 s2, s29  }
.LBB2_1:
0x12: {  	[tilespmem:s14], [sflag:$0x1] =	stream.strided.gather [hbm4b:s5+s12], $0x1900, s13, s12, $0x38;
	[tilespmem:$0x1EAA0] =	vst v63  }
0x13: {  	s24 =	simm.s32 $0x40;
	s25 =	simm.s32 $0x0  }
0x14: {  	[tilespmem:s15], [sflag:$0x3] =	stream.linear.gather [hbm4b:s6+s4], $0x1900, $0x38;
	[tilespmem:$0x1EAA0] =	vst v63  }
.LBB2_2:
0x15: {  	p0 =	sne.s32 s24, $0x61A40;
	[tilespmem:s25+$0x0] =	vst v0;
	s25 =	smov.u32 s24;
	s24 =	sadd.s32 $0x40, s24  }
.Ltmp0:
0x16: {  	(pc) =	sbr.rel @p0 .LBB2_2-.Ltmp0, $2  }
0x17: {  	_ =	sdelay $0x2  }
0x18: {  	s25 =	sshra.s32 s25, $0x2  }
0x19: {  	[tilespmem:s25+$0x0] =	vst v0;
	s24 =	simm.s32 $0x0;
	s25 =	simm.s32 $0x0  }
.LBB2_4:
0x1a: {  	s26 =	smul.u32 $0x64, s25;
	_ =	sdelay $0x1  }
0x1b: {  	s28 =	sadd.s32 s26, s7  }
0x1c: {  	s29 =	sshll.u32 s28, $0xA  }
0x1d: {  	s29 =	sadd.s32 s8, s29  }
0x1e: {  	s29 =	sshrl.u32 s29, $0x3  }
0x1f: {  	s28 =	sshll.u32 s28, $0x4;
	s29 =	sadd.s32 s2, s29  }
0x20: {  	[tilespmem:s16], [sflag:$0x2] =	stream.strided.gather [hbm4b:s29+s12], $0x1900, s13, s12, $0x38;
	[tilespmem:$0x1EAA0] =	vst v63  }
0x21: {  	s28 =	sadd.s32 s3, s28  }
0x22: {  	[tilespmem:s17], [sflag:$0x4] =	stream.linear.gather [hbm4b:s28+s24], $0x1900, $0x38;
	[tilespmem:$0x1EAA0] =	vst v63  }
0x23: {  	_ =	swait.ge [sflag:s18], $0x1900  }
0x24: {  	[sflag:s18] =	ssyncset.done $0x0  }
0x25: {  	[sflag:s18] =	ssyncadd.s32 $0xFFFFE700  }
0x26: {  	_ =	swait.ge [sflag:s19], $0x1900  }
0x27: {  	[sflag:s19] =	ssyncset.done $0x0  }
0x28: {  	s28 =	simm.s32 $0x0;
	[sflag:s19] =	ssyncadd.s32 $0xFFFFE700  }
0x29: {  	v5 =	vld [tilespmem:s28+$0x1B8F0]  }
0x2a: {  	v6 =	vld [tilespmem:s28+$0x1B8D0]  }
0x2b: {  	v7 =	vld [tilespmem:s28+$0x1B8E0]  }
0x2c: {  	v8 =	vld [tilespmem:s28+$0x1B8C0]  }
0x2d: {  	v9 =	vld [tilespmem:s28+$0x186C0]  }
0x2e: {  	v10 =	vld [tilespmem:s28+$0x186B0]  }
0x2f: {  	v11 =	vld [tilespmem:s28+$0x186A0]  }
0x30: {  	v12 =	vld [tilespmem:s28+$0x1B8B0]  }
0x31: {  	v13 =	vld [tilespmem:s28+$0x1B8A0]  }
0x32: {  	v14 =	vld [tilespmem:s28+$0x186D0]  }
0x33: {  	v15 =	vld [tilespmem:s28+$0x186E0]  }
0x34: {  	v16 =	vld [tilespmem:s28+$0x186F0]  }
0x35: {  	v2 =	vld [tilespmem:s28+$0x18700]  }
0x36: {  	v1 =	vld [tilespmem:s28+$0x1B910]  }
0x37: {  	v4 =	vld [tilespmem:s28+$0x1B900]  }
0x38: {  	v3 =	vld [tilespmem:s28+$0x18710]  }
0x39: {  	[tilespmem:v13+s4+$0x0] =	vst.idx.add.f32.msk $0xffff, v11  }
0x3a: {  	[tilespmem:v12+s4+$0x0] =	vst.idx.add.f32.msk $0xffff, v10  }
0x3b: {  	[tilespmem:v8+s4+$0x0] =	vst.idx.add.f32.msk $0xffff, v9  }
0x3c: {  	[tilespmem:v6+s4+$0x0] =	vst.idx.add.f32.msk $0xffff, v14  }
0x3d: {  	[tilespmem:v7+s4+$0x0] =	vst.idx.add.f32.msk $0xffff, v15  }
0x3e: {  	s28 =	simm.s32 $0x200;
	[tilespmem:v5+s4+$0x0] =	vst.idx.add.f32.msk $0xffff, v16  }
.LBB2_5:
0x3f: {  	s29 =	sshra.s32 s28, $0x2;
	p0 =	sne.s32 s28, $0x6200;
	s28 =	sadd.s32 $0x200, s28;
	[tilespmem:v4+s4+$0x0] =	vst.idx.add.f32.msk $0xffff, v2  }
0x40: {  	[tilespmem:v1+s4+$0x0] =	vst.idx.add.f32.msk $0xffff, v3  }
0x41: {  	v5 =	vld [tilespmem:s29+$0x1B8F0]  }
0x42: {  	v6 =	vld [tilespmem:s29+$0x1B8D0]  }
0x43: {  	v7 =	vld [tilespmem:s29+$0x1B8E0]  }
0x44: {  	v8 =	vld [tilespmem:s29+$0x1B8C0]  }
0x45: {  	v9 =	vld [tilespmem:s29+$0x186C0]  }
0x46: {  	v10 =	vld [tilespmem:s29+$0x186B0]  }
0x47: {  	v11 =	vld [tilespmem:s29+$0x186A0]  }
0x48: {  	v12 =	vld [tilespmem:s29+$0x1B8B0]  }
0x49: {  	v13 =	vld [tilespmem:s29+$0x1B8A0]  }
0x4a: {  	v14 =	vld [tilespmem:s29+$0x186D0]  }
0x4b: {  	v15 =	vld [tilespmem:s29+$0x186E0]  }
0x4c: {  	v16 =	vld [tilespmem:s29+$0x186F0]  }
0x4d: {  	v2 =	vld [tilespmem:s29+$0x18700]  }
0x4e: {  	v1 =	vld [tilespmem:s29+$0x1B910]  }
0x4f: {  	v4 =	vld [tilespmem:s29+$0x1B900]  }
0x50: {  	v3 =	vld [tilespmem:s29+$0x18710]  }
0x51: {  	[tilespmem:v13+s4+$0x0] =	vst.idx.add.f32.msk $0xffff, v11  }
.Ltmp1:
0x52: {  	[tilespmem:v12+s4+$0x0] =	vst.idx.add.f32.msk $0xffff, v10;
	(pc) =	sbr.rel @p0 .LBB2_5-.Ltmp1, $4  }
0x53: {  	[tilespmem:v8+s4+$0x0] =	vst.idx.add.f32.msk $0xffff, v9  }
0x54: {  	[tilespmem:v6+s4+$0x0] =	vst.idx.add.f32.msk $0xffff, v14  }
0x55: {  	[tilespmem:v7+s4+$0x0] =	vst.idx.add.f32.msk $0xffff, v15  }
0x56: {  	[tilespmem:v5+s4+$0x0] =	vst.idx.add.f32.msk $0xffff, v16  }
0x57: {  	p0 =	seq.s32 s25, $0x7C  }
0x58: {  	s26 =	sadd.s32 @!p0 s26, s9  }
0x59: {  	s28 =	sshll.u32 @!p0 s26, $0xA  }
0x5a: {  	s28 =	sadd.s32 @!p0 s8, s28  }
0x5b: {  	[tilespmem:v4+s4+$0x0] =	vst.idx.add.f32.msk $0xffff, v2;
	s29 =	simm.s32 @!p0 $0x80;
	s30 =	simm.s32 @!p0 $0x400;
	s28 =	sshrl.u32 @!p0 s28, $0x3  }
0x5c: {  	[tilespmem:v1+s4+$0x0] =	vst.idx.add.f32.msk $0xffff, v3;
	s31 =	simm.s32 @!p0 $0x186A0;
	s26 =	sshll.u32 @!p0 s26, $0x4;
	s28 =	sadd.s32 @!p0 s2, s28  }
0x5d: {  	[tilespmem:s31], [sflag:$0x1] =	stream.strided.gather @!p0 [hbm4b:s28+s29], $0x1900, s30, s29, $0x38;
	[tilespmem:$0x1EAA0] =	vst v63  }
0x5e: {  	s26 =	sadd.s32 @!p0 s3, s26;
	s28 =	simm.s32 @!p0 $0x0;
	s29 =	simm.s32 @!p0 $0x1B8A0  }
0x5f: {  	[tilespmem:s29], [sflag:$0x3] =	stream.linear.gather @!p0 [hbm4b:s26+s28], $0x1900, $0x38;
	[tilespmem:$0x1EAA0] =	vst v63  }
0x60: {  	_ =	swait.ge [sflag:s20], $0x1900  }
0x61: {  	[sflag:s20] =	ssyncset.done $0x0  }
0x62: {  	[sflag:s20] =	ssyncadd.s32 $0xFFFFE700  }
0x63: {  	_ =	swait.ge [sflag:s21], $0x1900  }
0x64: {  	[sflag:s21] =	ssyncset.done $0x0  }
0x65: {  	s31 =	simm.s32 $0x0;
	[sflag:s21] =	ssyncadd.s32 $0xFFFFE700  }
0x66: {  	v5 =	vld [tilespmem:s31+$0x1D1F0]  }
0x67: {  	v6 =	vld [tilespmem:s31+$0x1D1D0]  }
0x68: {  	v7 =	vld [tilespmem:s31+$0x1D1E0]  }
0x69: {  	v8 =	vld [tilespmem:s31+$0x1D1C0]  }
0x6a: {  	v9 =	vld [tilespmem:s31+$0x19FC0]  }
0x6b: {  	v10 =	vld [tilespmem:s31+$0x19FB0]  }
0x6c: {  	v11 =	vld [tilespmem:s31+$0x19FA0]  }
0x6d: {  	v12 =	vld [tilespmem:s31+$0x1D1B0]  }
0x6e: {  	v13 =	vld [tilespmem:s31+$0x1D1A0]  }
0x6f: {  	v14 =	vld [tilespmem:s31+$0x19FD0]  }
0x70: {  	v15 =	vld [tilespmem:s31+$0x19FE0]  }
0x71: {  	v16 =	vld [tilespmem:s31+$0x19FF0]  }
0x72: {  	v2 =	vld [tilespmem:s31+$0x1A000]  }
0x73: {  	v1 =	vld [tilespmem:s31+$0x1D210]  }
0x74: {  	v4 =	vld [tilespmem:s31+$0x1D200]  }
0x75: {  	v3 =	vld [tilespmem:s31+$0x1A010]  }
0x76: {  	[tilespmem:v13+s4+$0x0] =	vst.idx.add.f32.msk $0xffff, v11  }
0x77: {  	[tilespmem:v12+s4+$0x0] =	vst.idx.add.f32.msk $0xffff, v10  }
0x78: {  	[tilespmem:v8+s4+$0x0] =	vst.idx.add.f32.msk $0xffff, v9  }
0x79: {  	[tilespmem:v6+s4+$0x0] =	vst.idx.add.f32.msk $0xffff, v14  }
0x7a: {  	[tilespmem:v7+s4+$0x0] =	vst.idx.add.f32.msk $0xffff, v15  }
0x7b: {  	s26 =	simm.s32 $0x200;
	[tilespmem:v5+s4+$0x0] =	vst.idx.add.f32.msk $0xffff, v16  }
.LBB2_7:
0x7c: {  	s28 =	sshra.s32 s26, $0x2;
	p0 =	sne.s32 s26, $0x6200;
	s26 =	sadd.s32 $0x200, s26;
	[tilespmem:v4+s4+$0x0] =	vst.idx.add.f32.msk $0xffff, v2  }
0x7d: {  	[tilespmem:v1+s4+$0x0] =	vst.idx.add.f32.msk $0xffff, v3  }
0x7e: {  	v5 =	vld [tilespmem:s28+$0x1D1F0]  }
0x7f: {  	v6 =	vld [tilespmem:s28+$0x1D1D0]  }
0x80: {  	v7 =	vld [tilespmem:s28+$0x1D1E0]  }
0x81: {  	v8 =	vld [tilespmem:s28+$0x1D1C0]  }
0x82: {  	v9 =	vld [tilespmem:s28+$0x19FC0]  }
0x83: {  	v10 =	vld [tilespmem:s28+$0x19FB0]  }
0x84: {  	v11 =	vld [tilespmem:s28+$0x19FA0]  }
0x85: {  	v12 =	vld [tilespmem:s28+$0x1D1B0]  }
0x86: {  	v13 =	vld [tilespmem:s28+$0x1D1A0]  }
0x87: {  	v14 =	vld [tilespmem:s28+$0x19FD0]  }
0x88: {  	v15 =	vld [tilespmem:s28+$0x19FE0]  }
0x89: {  	v16 =	vld [tilespmem:s28+$0x19FF0]  }
0x8a: {  	v2 =	vld [tilespmem:s28+$0x1A000]  }
0x8b: {  	v1 =	vld [tilespmem:s28+$0x1D210]  }
0x8c: {  	v4 =	vld [tilespmem:s28+$0x1D200]  }
0x8d: {  	v3 =	vld [tilespmem:s28+$0x1A010]  }
0x8e: {  	[tilespmem:v13+s4+$0x0] =	vst.idx.add.f32.msk $0xffff, v11  }
.Ltmp2:
0x8f: {  	[tilespmem:v12+s4+$0x0] =	vst.idx.add.f32.msk $0xffff, v10;
	(pc) =	sbr.rel @p0 .LBB2_7-.Ltmp2, $4  }
0x90: {  	[tilespmem:v8+s4+$0x0] =	vst.idx.add.f32.msk $0xffff, v9  }
0x91: {  	[tilespmem:v6+s4+$0x0] =	vst.idx.add.f32.msk $0xffff, v14  }
0x92: {  	[tilespmem:v7+s4+$0x0] =	vst.idx.add.f32.msk $0xffff, v15  }
0x93: {  	[tilespmem:v5+s4+$0x0] =	vst.idx.add.f32.msk $0xffff, v16  }
0x94: {  	s25 =	sadd.s32 $0x1, s25  }
0x95: {  	p0 =	sne.s32 s25, $0x7D  }
.Ltmp3:
0x96: {  	_ = 	snop;
	(pc) =	sbr.rel @p0 .LBB2_4-.Ltmp3, $3  }
0x97: {  	_ =	sdelay $0x1  }
0x98: {  	[tilespmem:v4+s4+$0x0] =	vst.idx.add.f32.msk $0xffff, v2  }
0x99: {  	[tilespmem:v1+s4+$0x0] =	vst.idx.add.f32.msk $0xffff, v3  }
0x9a: {  	s23 =	sadd.s32 $0x1, s23  }
0x9b: {  	p0 =	sne.s32 s23, s11  }
.Ltmp4:
0x9c: {  	_ = 	snop;
	(pc) =	sbr.rel @p0 .LBB2_1-.Ltmp4, $4  }
0x9d: {  	[hbm4b:s10+s4] =	stream.linear.scatter [tilespmem:s4], [sflag:$0x5], $0x186A0, $0x38;
	[tilespmem:$0x1EAA0] =	vst v63  }
0x9e: {  	_ =	swait.ge [sflag:s22], $0x186A0  }
0x9f: {  	[sflag:s22] =	ssyncset.done $0x0  }
0xa0: {  	[sflag:s22] =	ssyncadd.s32 $0xFFFE7960  }
0xa1: {  	_ =	sfence.sel $0x180000  }
0xa2: {  	[bflag:$0x0] =	sbarrier.arrive $0xFFFF  }
0xa3: {  	p0 =	sne.s32 s1, $0x0;
	_ =	strace $0x90000047  }
0xa4: {  	s0 =	sadd.s32 @!p0 $0x100000, s0;
	[bflag:$0x2] =	sbarrier.arrive $0xFFFF  }
0xa5: {  	[sflag:s0] =	ssyncadd.tile.s32 @!p0 $0x1;
	_ =	shalt  }
.Lfunc_end2:
_tile_overlayer_lowered:
.L_overlay_start_2:
0xa6: {  	(tag) =	ssettag $0x2  }
0xa7: {  	s0 =	rddreg [dreg:$0x0];
	s2 =	stileid.u32  }
0xa8: {  	s1 =	rddreg [dreg:$0x1];
	p0 =	sne.s32 s2, $0x0  }
0xa9: {  	s3 =	rddreg [dreg:$0x2];
	[bflag:$0x3] =	sbarrier.arrive $0xFFFF;
	s2 =	simm.s32 @!p0 $0x1C05  }
0xaa: {  	[timem:s3], [sflag:s2] =	dma.local @!p0 [hbm:s0], s1  }
0xab: {  	s0 =	simm.s32 @!p0 $0x5  }
0xac: {  	_ =	swait.ge @!p0 [sflag:s0], s1  }
0xad: {  	s1 =	ssub.s32 @!p0 $0x0, s1;
	[sflag:s0] =	ssyncset.done @!p0 $0x0  }
0xae: {  	[sflag:s0] =	ssyncadd.s32 @!p0 s1  }
0xaf: {  	[bflag:$0x3] =	sbarrier.arrive $0xFFFF  }
0xb0: {  	_ =	shalt  }

</sc_bundles>
